<compile_context>
chip_gen: v7x
topology: tpu7x:2x2x1
jax: 0.10.2.dev20260603
libtpu: 0.0.44.dev20260713+nightly
codegen_flags: <defaults>
</compile_context>

<pallas_src>
import functools

import jax
import jax.numpy as jnp
from jax import lax
from jax.experimental import pallas as pl
from jax.experimental.pallas import tpu as pltpu
from jax.experimental.pallas import tpu_sc as plsc

_VOCAB = 1_000_000
_HID = 64
_NCLS = 4
_GD = 8
_B = 16384
_L = 200
_NTOK = _B * _L

_NC, _NS = 2, 16
_NW = _NC * _NS

_VBLK = 8192

_GCH = 2048
_PER_W = _NTOK // _NW
_GNCH = _PER_W // _GCH


def _proj_body(tab_ref, wexp_ref, b_ref, out_ref):
    out_ref[...] = lax.dot_general(
        tab_ref[...], wexp_ref[...],
        dimension_numbers=(((1,), (0,)), ((), ())),
        preferred_element_type=jnp.float32,
    ) + b_ref[...]


_PBLK = 512


def _project_table(table16, wexp, b128):
    grid = pl.cdiv(_VOCAB // 16, _PBLK)
    return pl.pallas_call(
        _proj_body,
        grid=(grid,),
        in_specs=[
            pl.BlockSpec((_PBLK, 16 * _HID), lambda i: (i, 0)),
            pl.BlockSpec((16 * _HID, 128), lambda i: (0, 0)),
            pl.BlockSpec((1, 128), lambda i: (0, 0)),
        ],
        out_specs=pl.BlockSpec((_PBLK, 128), lambda i: (i, 0)),
        out_shape=jax.ShapeDtypeStruct((_VOCAB // 16, 128), jnp.float32),
    )(table16, wexp, b128)


@functools.lru_cache(maxsize=1)
def _make_gather():
    mesh = plsc.VectorSubcoreMesh(core_axis_name="c", subcore_axis_name="s")

    @functools.partial(
        pl.kernel,
        mesh=mesh,
        out_type=jax.ShapeDtypeStruct((_NTOK, _GD), jnp.float32),
        scratch_types=[
            pltpu.VMEM((_GCH,), jnp.int32),
            pltpu.VMEM((_GCH, _GD), jnp.float32),
            pltpu.SemaphoreType.DMA,
        ],
        compiler_params=pltpu.CompilerParams(use_tc_tiling_on_sc=False,
                                             needs_layout_passes=False),
    )
    def gather_kernel(idx_hbm, proj_hbm, out_hbm, idx_v, rows_v, sem):
        wid = lax.axis_index("s") * _NC + lax.axis_index("c")
        kbase = wid * _PER_W

        def chunk_body(i, carry):
            koff = kbase + i * _GCH
            pltpu.sync_copy(idx_hbm.at[pl.ds(koff, _GCH)], idx_v)
            pltpu.async_copy(proj_hbm.at[idx_v], rows_v, sem).wait()
            pltpu.sync_copy(rows_v, out_hbm.at[pl.ds(koff, _GCH)])
            return carry

        lax.fori_loop(0, _GNCH, chunk_body, 0)

    return gather_kernel


def kernel(inputs, table, W, b):
    w_pad = jnp.zeros((_GD, _HID), jnp.float32).at[:_NCLS].set(W)
    wexp = jnp.einsum('rR,ch->rhRc', jnp.eye(16, dtype=jnp.float32),
                      w_pad).reshape(16 * _HID, 16 * _GD)
    b_pad = jnp.zeros((_GD,), jnp.float32).at[:_NCLS].set(b)
    b128 = jnp.tile(b_pad, 16).reshape(1, 128)

    table16 = table.reshape(_VOCAB // 16, 16 * _HID)
    proj = _project_table(table16, wexp, b128).reshape(_VOCAB, _GD)

    flat_idx = inputs.reshape(-1).astype(jnp.int32)
    rows = _make_gather()(flat_idx, proj)

    return rows.reshape(_B, _L, _GD)[:, :, :_NCLS]

# --- scband reference (transcript-rebuilt; emitter-appended) ---
"""Pipeline reference for scband-sequence-prediction-88484916232515 (READ-ONLY COPY).

The authoritative reference and input builder live on the scoring server;
editing this copy changes nothing except your own understanding.
"""

import jax, jax.numpy as jnp
import numpy as np

PAD_ID = 0
N_VOCAB = 1000000
HIDDEN_DIM = 64
N_CLASS = 4

def setup_inputs(seed: int = 0) -> dict:
    key = jax.random.key(seed)
    k1, k2, k3, k4 = jax.random.split(key, 4)
    inputs = jax.random.randint(k1, (16384, 200), 0, N_VOCAB, dtype=jnp.int64 if jax.config.jax_enable_x64 else jnp.int32)
    table = jax.random.normal(k2, (N_VOCAB, HIDDEN_DIM), dtype=jnp.float32) * 0.05
    # padding_idx row is zero-initialized in torch.nn.Embedding
    table = table.at[PAD_ID].set(0.0)
    W = jax.random.normal(k3, (N_CLASS, HIDDEN_DIM), dtype=jnp.float32) * 0.05
    b = jax.random.normal(k4, (N_CLASS,), dtype=jnp.float32) * 0.05
    return {"inputs": inputs, "table": table, "W": W, "b": b}

def reference(inputs, table, W, b):
    # embedding lookup (gather)
    hidden = jnp.take(table, inputs, axis=0)  # [B, L, H]
    # linear classifier per token
    logits = jnp.einsum('blh,ch->blc', hidden, W) + b  # [B, L, C]
    return logits

if __name__ == "__main__":
    import jax
    _d = setup_inputs()
    print(jax.jit(kernel)(*tuple(_d.values())))

</pallas_src>

<mosaic_0001>
#map = affine_map<(d0, d1) -> (0)>
#map1 = affine_map<(d0, d1) -> (0, 0)>
module attributes {stable_mosaic.version = 14 : i64} {
  func.func @gather_kernel(%arg0: i32, %arg1: i32, %arg2: memref<3276800xi32, #tpu.memory_space<hbm>>, %arg3: memref<1000000x8xf32, #tpu.memory_space<hbm>>, %arg4: memref<3276800x8xf32, #tpu.memory_space<hbm>>, %arg5: memref<2048xi32, #tpu.memory_space<vmem>>, %arg6: memref<2048x8xf32, #tpu.memory_space<vmem>>, %arg7: memref<!tpu.dma_semaphore, #tpu.memory_space<semaphore_mem>>) attributes {dimension_semantics = [#tpu.dimension_semantics<core_parallel>, #tpu.dimension_semantics<subcore_parallel>], iteration_bounds = array<i64: 2, 16>, scalar_prefetch = 0 : i64, scratch_operands = 3 : i64, tpu.core_type = #tpu.core_type<sc_vector_subcore>, window_params = [{transform_indices = #map}, {transform_indices = #map1}, {transform_indices = #map1}]} {
    %mul3A = arith.constant 2 : i32
    %mul3A_0 = arith.muli %arg1, %mul3A : i32
    %add3A = arith.addi %mul3A_0, %arg0 : i32
    %mul3A_1 = arith.constant 102400 : i32
    %mul3A_2 = arith.muli %add3A, %mul3A_1 : i32
    %scan3A = arith.constant 0 : i32
    %scan3A_3 = arith.constant 0 : i32
    %scan3A_4 = arith.constant 50 : i32
    %scan3A_5 = arith.addi %scan3A_3, %scan3A_4 : i32
    %scan3A_6 = arith.constant 1 : i32
    scf.for %scan3A_8 = %scan3A_3 to %scan3A_5 step %scan3A_6  : i32 {
      %mul3A_9 = arith.constant 2048 : i32
      %mul3A_10 = arith.muli %scan3A_8, %mul3A_9 : i32
      %add3A_11 = arith.addi %mul3A_2, %mul3A_10 : i32
      "tpu.region"() ({
        %run_scoped3A = tpu.sem_alloc : memref<!tpu.dma_semaphore, #tpu.memory_space<semaphore_mem>>
        %dma_start3A_16 = tpu.memref_slice %arg2[%add3A_11] : memref<3276800xi32, #tpu.memory_space<hbm>> -> memref<2048xi32, #tpu.memory_space<hbm>>
        %dma_start3A_17 = tpu.memref_slice %arg2[%add3A_11] : memref<3276800xi32, #tpu.memory_space<hbm>> -> memref<2048xi32, #tpu.memory_space<hbm>>
        tpu.enqueue_dma source(%dma_start3A_17 : memref<2048xi32, #tpu.memory_space<hbm>>) target(%arg5 : memref<2048xi32, #tpu.memory_space<vmem>>) target_semaphore(%run_scoped3A : memref<!tpu.dma_semaphore, #tpu.memory_space<semaphore_mem>>)
        %dma_wait3A_18 = tpu.memref_slice %arg2[%add3A_11] : memref<3276800xi32, #tpu.memory_space<hbm>> -> memref<2048xi32, #tpu.memory_space<hbm>>
        %dma_wait3A_19 = tpu.memref_slice %arg2[%add3A_11] : memref<3276800xi32, #tpu.memory_space<hbm>> -> memref<2048xi32, #tpu.memory_space<hbm>>
        tpu.wait_dma2 semaphore(%run_scoped3A : memref<!tpu.dma_semaphore, #tpu.memory_space<semaphore_mem>>) src(%dma_wait3A_19 : memref<2048xi32, #tpu.memory_space<hbm>>) dst(%arg5 : memref<2048xi32, #tpu.memory_space<vmem>>)
        tpu.yield
      }) : () -> ()
      %dma_start3A = arith.constant 0 : i32
      %dma_start3A_12 = arith.constant 0 : i32
      %dma_start3A_13 = tpu.memref_slice %arg3[%dma_start3A, %dma_start3A_12] : memref<1000000x8xf32, #tpu.memory_space<hbm>> -> memref<1000000x8xf32, #tpu.memory_space<hbm>>
      tpu.enqueue_indirect_dma source(%dma_start3A_13 : memref<1000000x8xf32, #tpu.memory_space<hbm>>) target(%arg6 : memref<2048x8xf32, #tpu.memory_space<vmem>>) offsets(%arg5 : memref<2048xi32, #tpu.memory_space<vmem>>) semaphore(%arg7 : memref<!tpu.dma_semaphore, #tpu.memory_space<semaphore_mem>>)
      %dma_wait3A = arith.constant 0 : i32
      %dma_wait3A_14 = arith.constant 0 : i32
      %dma_wait3A_15 = tpu.memref_slice %arg3[%dma_wait3A, %dma_wait3A_14] : memref<1000000x8xf32, #tpu.memory_space<hbm>> -> memref<1000000x8xf32, #tpu.memory_space<hbm>>
      tpu.wait_indirect_dma semaphore(%arg7 : memref<!tpu.dma_semaphore, #tpu.memory_space<semaphore_mem>>) src(%dma_wait3A_15 : memref<1000000x8xf32, #tpu.memory_space<hbm>>) dst(%arg6 : memref<2048x8xf32, #tpu.memory_space<vmem>>)
      "tpu.region"() ({
        %run_scoped3A = tpu.sem_alloc : memref<!tpu.dma_semaphore, #tpu.memory_space<semaphore_mem>>
        %dma_start3A_16 = arith.constant 0 : i32
        %dma_start3A_17 = tpu.memref_slice %arg4[%add3A_11, %dma_start3A_16] : memref<3276800x8xf32, #tpu.memory_space<hbm>> -> memref<2048x8xf32, #tpu.memory_space<hbm>>
        %dma_start3A_18 = arith.constant 0 : i32
        %dma_start3A_19 = tpu.memref_slice %arg4[%add3A_11, %dma_start3A_18] : memref<3276800x8xf32, #tpu.memory_space<hbm>> -> memref<2048x8xf32, #tpu.memory_space<hbm>>
        tpu.enqueue_dma source(%arg6 : memref<2048x8xf32, #tpu.memory_space<vmem>>) target(%dma_start3A_19 : memref<2048x8xf32, #tpu.memory_space<hbm>>) target_semaphore(%run_scoped3A : memref<!tpu.dma_semaphore, #tpu.memory_space<semaphore_mem>>)
        %dma_wait3A_20 = arith.constant 0 : i32
        %dma_wait3A_21 = tpu.memref_slice %arg4[%add3A_11, %dma_wait3A_20] : memref<3276800x8xf32, #tpu.memory_space<hbm>> -> memref<2048x8xf32, #tpu.memory_space<hbm>>
        %dma_wait3A_22 = arith.constant 0 : i32
        %dma_wait3A_23 = tpu.memref_slice %arg4[%add3A_11, %dma_wait3A_22] : memref<3276800x8xf32, #tpu.memory_space<hbm>> -> memref<2048x8xf32, #tpu.memory_space<hbm>>
        tpu.wait_dma2 semaphore(%run_scoped3A : memref<!tpu.dma_semaphore, #tpu.memory_space<semaphore_mem>>) src(%arg6 : memref<2048x8xf32, #tpu.memory_space<vmem>>) dst(%dma_wait3A_23 : memref<2048x8xf32, #tpu.memory_space<hbm>>)
        tpu.yield
      }) : () -> ()
    }
    %scan3A_7 = arith.constant 50 : i32
    return
  }
}

module attributes {stable_mosaic.version = 14 : i64} {
  func.func @_proj_body(%arg0: i32, %arg1: memref<512x1024xf32, #tpu.memory_space<vmem>>, %arg2: memref<1024x128xf32, #tpu.memory_space<vmem>>, %arg3: memref<1x128xf32, #tpu.memory_space<vmem>>, %arg4: memref<512x128xf32, #tpu.memory_space<vmem>>) attributes {dimension_semantics = [#tpu.dimension_semantics<arbitrary>], iteration_bounds = array<i64: 123>, scalar_prefetch = 0 : i64, scratch_operands = 0 : i64, tpu.core_type = #tpu.core_type<tc>, window_params = [{transform_indices = @transform_0, window_bounds = array<i64: 512, 1024>}, {pipeline_mode = #tpu.pipeline_mode<synchronous>, transform_indices = @transform_1, window_bounds = array<i64: 1024, 128>}, {pipeline_mode = #tpu.pipeline_mode<synchronous>, transform_indices = @transform_2, window_bounds = array<i64: 1, 128>}, {transform_indices = @transform_3, window_bounds = array<i64: 512, 128>}]} {
    %get3A = arith.constant 0 : index
    %get3A_0 = arith.constant 0 : index
    %get3A_1 = vector.load %arg1[%get3A, %get3A_0] : memref<512x1024xf32, #tpu.memory_space<vmem>>, vector<512x1024xf32>
    %get3A_2 = arith.constant 0 : index
    %get3A_3 = arith.constant 0 : index
    %get3A_4 = vector.load %arg2[%get3A_2, %get3A_3] : memref<1024x128xf32, #tpu.memory_space<vmem>>, vector<1024x128xf32>
    %dot_general3A = arith.constant dense<0.000000e+00> : vector<512x128xf32>
    %dot_general3A_5 = tpu.matmul %get3A_1, %get3A_4, %dot_general3A {dimension_numbers = #tpu.dot_dimension_numbers<[1], [0], [0], [1], [0, 0, 1, 1], [], []>, transpose_lhs_hint = false} : vector<512x1024xf32>, vector<1024x128xf32>, vector<512x128xf32> -> vector<512x128xf32>
    %get3A_6 = arith.constant 0 : index
    %get3A_7 = arith.constant 0 : index
    %get3A_8 = vector.load %arg3[%get3A_6, %get3A_7] : memref<1x128xf32, #tpu.memory_space<vmem>>, vector<1x128xf32>
    %add3A = vector.broadcast %get3A_8 : vector<1x128xf32> to vector<512x128xf32>
    %add3A_9 = arith.addf %dot_general3A_5, %add3A : vector<512x128xf32>
    %swap3A = arith.constant 0 : index
    %swap3A_10 = arith.constant 0 : index
    %swap3A_11 = vector.load %arg4[%swap3A, %swap3A_10] : memref<512x128xf32, #tpu.memory_space<vmem>>, vector<512x128xf32>
    tpu.vector_store %arg4[%swap3A, %swap3A_10], %add3A_9 {strides = array<i32>} : memref<512x128xf32, #tpu.memory_space<vmem>>, vector<512x128xf32>,
    return
  }
  func.func @transform_0(%arg0: i32) -> (i32, i32) {
    %c0_i32 = arith.constant 0 : i32
    %c0_i32_0 = arith.constant 0 : i32
    return %arg0, %c0_i32 : i32, i32
  }
  func.func @transform_1(%arg0: i32) -> (i32, i32) {
    %c0_i32 = arith.constant 0 : i32
    %c0_i32_0 = arith.constant 0 : i32
    %c0_i32_1 = arith.constant 0 : i32
    return %c0_i32, %c0_i32_0 : i32, i32
  }
  func.func @transform_2(%arg0: i32) -> (i32, i32) {
    %c0_i32 = arith.constant 0 : i32
    %c0_i32_0 = arith.constant 0 : i32
    %c0_i32_1 = arith.constant 0 : i32
    return %c0_i32, %c0_i32_0 : i32, i32
  }
  func.func @transform_3(%arg0: i32) -> (i32, i32) {
    %c0_i32 = arith.constant 0 : i32
    %c0_i32_0 = arith.constant 0 : i32
    return %arg0, %c0_i32 : i32, i32
  }
}

</mosaic_0001>

<sc_bundles>
// kernel: kernel.4.cloned.1.call-start
scs
__scs_entry_jumppad:
0x0: {  	(pc) =	sbr.rel $0x88, $3  }
0x1: {  	(tag) =	ssettag $0x0;
	lr =	simm.s32 $0x1  }
0x2: {  	[smem:$0x3F9D] =	sst lr;
	_ =	strace $0xD0000000  }
0x3: {  	_ = 	snop  }
0x4: {  	_ = 	snop  }
0x5: {  	_ = 	snop  }
0x6: {  	_ = 	snop  }
0x7: {  	_ = 	snop  }
__scs_overlays_trampoline_lowered:
0x8: {  	[smem:$0x3FAC] =	sst s0  }
0x9: {  	[smem:$0x3FAD] =	sst s1  }
0xa: {  	[smem:$0x3FAE] =	sst s2  }
0xb: {  	[smem:$0x3FAF] =	sst s3  }
0xc: {  	[smem:$0x3FB0] =	sst s4  }
0xd: {  	[smem:$0x3FB1] =	sst s5  }
0xe: {  	[smem:$0x3FB2] =	sst s6  }
0xf: {  	[smem:$0x3FB3] =	sst s7  }
0x10: {  	[smem:$0x3FB4] =	sst s8  }
0x11: {  	[smem:$0x3FB5] =	sst s9;
	s0 =	simm.s32 @!p0 $0x0  }
0x12: {  	s1 =	sld [smem:$0x3F9B];
	s0 =	simm.s32 @p0 $0x1  }
0x13: {  	[smem:$0x3FB6] =	sst s0;
	s0 =	simm.s32 @!p1 $0x0  }
0x14: {  	s2 =	sld [smem:$0x3F9A];
	s0 =	simm.s32 @p1 $0x1  }
0x15: {  	[smem:$0x3FB7] =	sst s0;
	s0 =	simm.s32 @!p2 $0x0  }
0x16: {  	s3 =	sld [smem:$0x3FDB];
	s0 =	simm.s32 @p2 $0x1  }
0x17: {  	s4 =	simm.s32 $0x1BF5;
	[smem:$0x3FB9] =	sst s0  }
0x18: {  	s0 =	sld [smem:$0x3F9C];
	_ =	swait.ge [sflag:s4], $0x0  }
0x19: {  	s7 =	sld [smem:$0x3F9D]  }
0x1a: {  	s8 =	sadd.s32 $0xFFFFE003, lr  }
0x1b: {  	s9 =	sadd.s32 $0xFFFFFEF7, lr;
	s5 =	simm.s32 $0xFFFFFFFF;
	p2 =	slt.u32 s8, $0xFFFFF086  }
0x1c: {  	p1 =	slt.u32 s9, $0xF7A;
	s5 =	simm.s32 @!p2 $0x0  }
0x1d: {  	s5 =	simm.s32 @p1 $0x1;
	p0 =	seq.s32 s7, s2  }
0x1e: {  	s7 =	smul.u32 @!p0 $0xF7A, s2;
	p2 =	seq.s32 @!p0 s5, $0x0  }
0x1f: {  	s9 =	smul.u32 $0xF7A, s1;
	s8 =	simm.s32 @!p0 $0x1BF5;
	p2 =	por !p2, p0  }
0x20: {  	[sflag:s8] =	ssyncset.s32 @!p0 $0xFFFFF086;
	s6 =	sadd.s32 @!p0 s3, s7;
	s7 =	simm.s32 @!p0 $0x108  }
0x21: {  	s3 =	sadd.s32 s3, s9;
	s6 =	sadd.s32 @!p0 $0x88, s6;
	s7 =	simm.s32 @p2 $0x1082  }
0x22: {  	[simem:s7], [sflag:s8] =	dma.local @!p0 [hbm:s6], $0xF7A  }
0x23: {  	s9 =	sor.u32 $0xD0000000, s2;
	s6 =	simm.s32 $0x108;
	_ =	swait.ge @!p0 [sflag:s8], $0x0  }
0x24: {  	s3 =	sadd.s32 $0x88, s3;
	s6 =	simm.s32 @!p1 $0x1082;
	[sflag:s4] =	ssyncset.s32 $0xFFFFF086  }
0x25: {  	[simem:s6], [sflag:s4] =	dma.local [hbm:s3], $0xF7A  }
0x26: {  	[smem:$0x3F9D] =	sst s1;
	(tag) =	ssettag s2;
	_ =	strace s9  }
0x27: {  	s1 =	sld [smem:$0x3FAD]  }
0x28: {  	s2 =	sld [smem:$0x3FAE]  }
0x29: {  	s4 =	sld [smem:$0x3FB0]  }
0x2a: {  	p0 =	seq.s32 s5, $0x0;
	s5 =	sld [smem:$0x3FB1]  }
0x2b: {  	s6 =	sld [smem:$0x3FB2]  }
0x2c: {  	s7 =	sld [smem:$0x3FB3]  }
0x2d: {  	s3 =	simm.s32 $0x108;
	s8 =	sld [smem:$0x3FB4]  }
0x2e: {  	s3 =	simm.s32 @!p0 $0x1082;
	s9 =	sld [smem:$0x3FB5]  }
0x2f: {  	lr =	sadd.s32 s0, s3;
	s0 =	sld [smem:$0x3FAC]  }
0x30: {  	s3 =	sld [smem:$0x3FAF]  }
0x31: {  	[smem:$0x3FB8] =	sst s10  }
0x32: {  	s10 =	sld [smem:$0x3FB6];
	_ =	sdelay $0x3  }
0x33: {  	p0 =	seq.s32 s10, $0x1;
	s10 =	sld [smem:$0x3FB8];
	_ =	sdelay $0x3  }
0x34: {  	[smem:$0x3FB8] =	sst s10  }
0x35: {  	s10 =	sld [smem:$0x3FB7];
	_ =	sdelay $0x3  }
0x36: {  	p1 =	seq.s32 s10, $0x1;
	s10 =	sld [smem:$0x3FB8];
	_ =	sdelay $0x3  }
0x37: {  	[smem:$0x3FB8] =	sst s10  }
0x38: {  	s10 =	sld [smem:$0x3FB9]  }
0x39: {  	_ = 	snop;
	(pc) =	sbr.ind lr, $3  }
0x3a: {  	_ = 	snop  }
0x3b: {  	_ = 	snop  }
0x3c: {  	p2 =	seq.s32 s10, $0x1;
	s10 =	sld [smem:$0x3FB8]  }
0x3d: {  	_ =	shalt  }
0x3e: {  	_ =	shalt  }
0x3f: {  	_ =	shalt  }
0x40: {  	_ =	shalt  }
0x41: {  	_ =	shalt  }
0x42: {  	_ =	shalt  }
0x43: {  	_ =	shalt  }
0x44: {  	_ =	shalt  }
0x45: {  	_ =	shalt  }
0x46: {  	_ =	shalt  }
0x47: {  	_ =	shalt  }
0x48: {  	_ =	shalt  }
0x49: {  	_ =	shalt  }
0x4a: {  	_ =	shalt  }
0x4b: {  	_ =	shalt  }
0x4c: {  	_ =	shalt  }
0x4d: {  	_ =	shalt  }
0x4e: {  	_ =	shalt  }
0x4f: {  	_ =	shalt  }
0x50: {  	_ =	shalt  }
0x51: {  	_ =	shalt  }
0x52: {  	_ =	shalt  }
0x53: {  	_ =	shalt  }
0x54: {  	_ =	shalt  }
0x55: {  	_ =	shalt  }
0x56: {  	_ =	shalt  }
0x57: {  	_ =	shalt  }
0x58: {  	_ =	shalt  }
0x59: {  	_ =	shalt  }
0x5a: {  	_ =	shalt  }
0x5b: {  	_ =	shalt  }
0x5c: {  	_ =	shalt  }
0x5d: {  	_ =	shalt  }
0x5e: {  	_ =	shalt  }
0x5f: {  	_ =	shalt  }
0x60: {  	_ =	shalt  }
0x61: {  	_ =	shalt  }
0x62: {  	_ =	shalt  }
0x63: {  	_ =	shalt  }
0x64: {  	_ =	shalt  }
0x65: {  	_ =	shalt  }
0x66: {  	_ =	shalt  }
0x67: {  	_ =	shalt  }
0x68: {  	_ =	shalt  }
0x69: {  	_ =	shalt  }
0x6a: {  	_ =	shalt  }
0x6b: {  	_ =	shalt  }
0x6c: {  	_ =	shalt  }
0x6d: {  	_ =	shalt  }
0x6e: {  	_ =	shalt  }
0x6f: {  	_ =	shalt  }
0x70: {  	_ =	shalt  }
0x71: {  	_ =	shalt  }
0x72: {  	_ =	shalt  }
0x73: {  	_ =	shalt  }
0x74: {  	_ =	shalt  }
0x75: {  	_ =	shalt  }
0x76: {  	_ =	shalt  }
0x77: {  	_ =	shalt  }
0x78: {  	_ =	shalt  }
0x79: {  	_ =	shalt  }
0x7a: {  	_ =	shalt  }
0x7b: {  	_ =	shalt  }
0x7c: {  	_ =	shalt  }
0x7d: {  	_ =	shalt  }
0x7e: {  	_ =	shalt  }
0x7f: {  	_ =	shalt  }
0x80: {  	_ =	shalt  }
0x81: {  	_ =	shalt  }
0x82: {  	_ =	shalt  }
0x83: {  	_ =	shalt  }
0x84: {  	_ =	shalt  }
0x85: {  	_ =	shalt  }
0x86: {  	_ =	shalt  }
0x87: {  	_ =	shalt  }
.Lfunc_end0:
.L_simem_size_0:
called_computation.1_lowered:
.L_overlay_start_0:
0x88: {  	s2 =	sld [smem:$0x3FD9]  }
0x89: {  	s3 =	sld [smem:$0x3FFE];
	_ =	sdelay $0x1  }
0x8a: {  	s1 =	srdreg.scid  }
0x8b: {  	s0 =	sand.u32 $0x1, s1  }
0x8c: {  	s17 =	sshll.u32 s0, $0xA;
	s2 =	sadd.s32 s3, s2  }
0x8d: {  	s2 =	sadd.s32 s2, s17  }
0x8e: {  	[smem:$0x3FC4] =	sst s2  }
0x8f: {  	_ = 	snop  }
0x90: {  	s2 =	sld [smem:$0x3FD0];
	(tm) =	ssettm $0x1  }
0x91: {  	s18 =	sld [smem:$0x3FFB];
	_ =	sdelay $0x3  }
0x92: {  	_ =	strace s18  }
0x93: {  	s3 =	sld [smem:$0x3FFC];
	_ =	sdelay $0x3  }
0x94: {  	_ =	strace s3  }
0x95: {  	s3 =	sld [smem:$0x3FFD];
	_ =	sdelay $0x3  }
0x96: {  	_ =	strace s3  }
0x97: {  	_ =	strace $0x8FFFFFFF  }
0x98: {  	s19 =	sld [smem:$0x3FDB];
	_ =	sdelay $0x1  }
0x99: {  	s4 =	simm.s32 $_scs_section_size  }
0x9a: {  	s5 =	simm.s32 $_size__tile_overlayer_lowered;
	s6 =	simm.s32 $_tile_overlayer_lowered  }
0x9b: {  	s22 =	simm.s32 $0x1BFF;
	s21 =	sshll.u32 s6, $0x1;
	s3 =	sadd.s32 s4, s19  }
0x9c: {  	s7 =	simm.s32 $0x0;
	s20 =	sshll.u32 s5, $0x1;
	s5 =	sadd.s32 s21, s3  }
0x9d: {  	[timem:s7], [sflag:s22] =	dma.local [hbm:s5], s20  }
0x9e: {  	_ =	swait.ge [sflag:s22], s20  }
0x9f: {  	s4 =	ssub.s32 $0x0, s20;
	[sflag:s22] =	ssyncset.done $0x0  }
0xa0: {  	[sflag:s22] =	ssyncadd.s32 s4;
	_ =	sdelay $0x1  }
0xa1: {  	s23 =	simm.s32 $0x1B8B  }
0xa2: {  	_ =	swait.ge [sflag:s23], $0x1  }
0xa3: {  	[sflag:s23] =	ssyncset.done $0x0  }
0xa4: {  	s25 =	simm.s32 $0x1B8E;
	s24 =	sld [smem:$0x3FFE];
	[sflag:s23] =	ssyncadd.s32 $0xFFFFFFFF  }
0xa5: {  	s26 =	simm.s32 $execute0_lowered;
	[smem:$0x3FD2] =	sst s25  }
0xa6: {  	s5 =	sshll.u32 s26, $0x1;
	_ =	strace $0x80000046;
	[dreg:$0x1] =	wrdreg $0xFFFFFFFF  }
0xa7: {  	s28 =	simm.s32 $_size_execute0_lowered;
	s3 =	sadd.s32 s3, s5;
	[dreg:$0x0] =	wrdreg $0x0  }
0xa8: {  	s5 =	sshll.u32 s28, $0x1;
	[dreg:$0x2] =	wrdreg s3  }
0xa9: {  	[dreg:$0x3] =	wrdreg s5  }
0xaa: {  	[dreg:$0x4] =	wrdreg $0xC0  }
0xab: {  	_ =	task [dreg:s7], $0x5FFFF  }
0xac: {  	[dreg:$0x1] =	wrdreg $0xFFFFFFFF  }
0xad: {  	[dreg:$0x0] =	wrdreg $0x60  }
0xae: {  	[dreg:$0x2] =	wrdreg s24  }
0xaf: {  	[dreg:$0x3] =	wrdreg s2  }
0xb0: {  	[dreg:$0x4] =	wrdreg $0x9  }
0xb1: {  	_ =	task.clear_ibuf [dreg:s7], $0x5FFFF;
	_ =	strace $0x90000046  }
0xb2: {  	s29 =	simm.s32 $0x9;
	_ =	strace $0x80000048  }
0xb3: {  	_ =	swait.ge [sflag:s29], $0x1  }
0xb4: {  	[sflag:s29] =	ssyncadd.s32 $0xFFFFFFFF  }
0xb5: {  	_ =	strace $0x90000048  }
0xb6: {  	_ =	sfence  }
0xb7: {  	s30 =	sld [smem:$0x0];
	_ =	sdelay $0x2  }
0xb8: {  	s31 =	sshll.u32 s1, $0xD;
	s1 =	sshrl.u32 s1, $0x2  }
0xb9: {  	s3 =	sand.u32 $0x4000, s31;
	s1 =	sadd.s32 s1, s30  }
0xba: {  	s0 =	sor.u32 s3, s0;
	s1 =	sshll.u32 s1, $0x11  }
0xbb: {  	s0 =	sor.u32 s1, s0  }
0xbc: {  	s0 =	sadd.s32 $0x8F2B, s0  }
0xbd: {  	[sflag:s0] =	ssyncadd.remote.s32 $0x1  }
0xbe: {  	_ =	sfence.sel $0xFFFF  }
0xbf: {  	[dreg:$0x0] =	wrdreg $0xFFFFFFFF;
	(pc) =	sbr.abs _section_cstart, $3  }
0xc0: {  	[dreg:$0x1] =	wrdreg $0xFFFFFFFF  }
0xc1: {  	_ =	task.clear_ibuf [dreg:s7], $0x2FFFF;
	_ =	strace $0x9FFFFFFF  }
0xc2: {  	(tm) =	ssettm $0x7FFFFFFF  }
0xc3: {  	_ =	shalt  }
tec
execute0_lowered:
.L_overlay_start_1:
0x0: {  	(tag) =	ssettag $0x1  }
0x1: {  	s1 =	srdreg.scid;
	s4 =	rddreg [dreg:$0x0]  }
0x2: {  	s0 =	stileid.u32;
	s2 =	rddreg [dreg:$0x1]  }
0x3: {  	s3 =	simm.s32 $0x0;
	s5 =	sand.u32 $0x1, s1;
	s6 =	smul.u32 $0x32000, s0  }
0x4: {  	s9 =	simm.s32 $0x1;
	s1 =	rddreg [dreg:$0x2];
	s7 =	smul.u32 $0x19000, s5  }
0x5: {  	s10 =	simm.s32 $0x0;
	[smem:$0x7FF] =	sst s3;
	s5 =	ssub.s32 $0x2, s5  }
0x6: {  	_ =	strace $0x80000047;
	s30 =	sshrl.u32 s5, $0x1;
	s6 =	sadd.s32 s7, s6  }
0x7: {  	s5 =	ssub.s32 s5, s30;
	s7 =	simm.s32 $0x2;
	s8 =	sshrl.u32 s6, $0x3  }
0x8: {  	s6 =	sadd.s32 s6, s4;
	s31 =	sadd.s32 s8, s4;
	s4 =	smax.u32 s5, $0x1  }
0x9: {  	s5 =	sadd.s32 $0x64E00, s6;
	s8 =	simm.s32 $0x800;
	s6 =	sadd.s32 $0xE00, s31  }
.LBB2_1:
0xa: {  	s11 =	sadd.s32 $0x0, s6  }
0xb: {  	[tilespmem:s3], [sflag:$0x2] =	stream.linear.gather [hbm4b:s11+s3], $0x800, $0x38;
	[tilespmem:$0x4800] =	vst v63  }
0xc: {  	_ =	swait.ge [sflag:s7], $0x800  }
0xd: {  	[sflag:s7] =	ssyncset.done $0x0  }
0xe: {  	[sflag:s7] =	ssyncadd.s32 $0xFFFFF800  }
0xf: {  	[tilespmem:s8], [sflag:$0x1] =	stream.indirect.gather [hbm4b:s2+s8], $0x8, s3, s8, $0xb8;
	[tilespmem:$0x4800] =	vst v63  }
0x10: {  	_ =	swait.ge [sflag:s9], $0x4000  }
0x11: {  	[sflag:s9] =	ssyncset.done $0x0  }
0x12: {  	[sflag:s9] =	ssyncadd.s32 $0xFFFFC000  }
0x13: {  	[hbm4b:s5+s3] =	stream.linear.scatter [tilespmem:s8], [sflag:$0x2], $0x4000, $0x38;
	[tilespmem:$0x4800] =	vst v63  }
0x14: {  	s12 =	simm.s32 $0x100;
	_ =	swait.ge [sflag:s7], $0x4000  }
0x15: {  	s13 =	simm.s32 $0x200;
	s11 =	sadd.s32 $0x800, s5;
	[sflag:s7] =	ssyncset.done $0x0  }
.LBB2_2:
0x16: {  	s14 =	sadd.s32 s12, s6  }
0x17: {  	[sflag:s7] =	ssyncadd.s32 $0xFFFFC000;
	s12 =	smov.u32 s13;
	s15 =	sadd.s32 $0x100, s13  }
0x18: {  	[tilespmem:s3], [sflag:$0x2] =	stream.linear.gather [hbm4b:s14+s3], $0x800, $0x38;
	[tilespmem:$0x4800] =	vst v63  }
0x19: {  	p0 =	sne.s32 s13, $0x3100;
	_ =	swait.ge [sflag:s7], $0x800  }
0x1a: {  	[sflag:s7] =	ssyncset.done $0x0  }
0x1b: {  	[sflag:s7] =	ssyncadd.s32 $0xFFFFF800  }
0x1c: {  	[tilespmem:s8], [sflag:$0x1] =	stream.indirect.gather [hbm4b:s2+s8], $0x8, s3, s8, $0xb8;
	[tilespmem:$0x4800] =	vst v63  }
0x1d: {  	_ =	swait.ge [sflag:s9], $0x4000  }
.Ltmp0:
0x1e: {  	[sflag:s9] =	ssyncset.done $0x0;
	(pc) =	sbr.rel @p0 .LBB2_2-.Ltmp0, $4  }
0x1f: {  	[sflag:s9] =	ssyncadd.s32 $0xFFFFC000  }
0x20: {  	[hbm4b:s11+s3] =	stream.linear.scatter [tilespmem:s8], [sflag:$0x2], $0x4000, $0x38;
	[tilespmem:$0x4800] =	vst v63  }
0x21: {  	_ =	swait.ge [sflag:s7], $0x4000  }
0x22: {  	s13 =	smov.u32 s15;
	s11 =	sadd.s32 $0x800, s11;
	[sflag:s7] =	ssyncset.done $0x0  }
0x23: {  	s12 =	sadd.s32 s12, s6;
	[sflag:s7] =	ssyncadd.s32 $0xFFFFC000  }
0x24: {  	[tilespmem:s3], [sflag:$0x2] =	stream.linear.gather [hbm4b:s12+s3], $0x800, $0x38;
	[tilespmem:$0x4800] =	vst v63  }
0x25: {  	_ =	swait.ge [sflag:s7], $0x800  }
0x26: {  	[sflag:s7] =	ssyncset.done $0x0  }
0x27: {  	[sflag:s7] =	ssyncadd.s32 $0xFFFFF800  }
0x28: {  	[tilespmem:s8], [sflag:$0x1] =	stream.indirect.gather [hbm4b:s2+s8], $0x8, s3, s8, $0xb8;
	[tilespmem:$0x4800] =	vst v63  }
0x29: {  	s10 =	sadd.s32 $0x1, s10;
	_ =	swait.ge [sflag:s9], $0x4000  }
0x2a: {  	p0 =	sne.s32 s10, s4;
	[sflag:s9] =	ssyncset.done $0x0  }
.Ltmp1:
0x2b: {  	[sflag:s9] =	ssyncadd.s32 $0xFFFFC000;
	(pc) =	sbr.rel @p0 .LBB2_1-.Ltmp1, $4  }
0x2c: {  	[hbm4b:s11+s3] =	stream.linear.scatter [tilespmem:s8], [sflag:$0x2], $0x4000, $0x38;
	[tilespmem:$0x4800] =	vst v63  }
0x2d: {  	_ =	swait.ge [sflag:s7], $0x4000  }
0x2e: {  	[sflag:s7] =	ssyncset.done $0x0  }
0x2f: {  	[sflag:s7] =	ssyncadd.s32 $0xFFFFC000  }
0x30: {  	_ =	sfence.sel $0x180000  }
0x31: {  	[bflag:$0x0] =	sbarrier.arrive $0xFFFF  }
0x32: {  	p0 =	sne.s32 s0, $0x0;
	_ =	strace $0x90000047  }
0x33: {  	s0 =	sadd.s32 @!p0 $0x100000, s1;
	[bflag:$0x2] =	sbarrier.arrive $0xFFFF  }
0x34: {  	[sflag:s0] =	ssyncadd.tile.s32 @!p0 $0x1;
	_ =	shalt  }
.Lfunc_end2:
_tile_overlayer_lowered:
.L_overlay_start_2:
0x35: {  	(tag) =	ssettag $0x2  }
0x36: {  	s0 =	rddreg [dreg:$0x0];
	s2 =	stileid.u32  }
0x37: {  	s1 =	rddreg [dreg:$0x1];
	p0 =	sne.s32 s2, $0x0  }
0x38: {  	s3 =	rddreg [dreg:$0x2];
	[bflag:$0x3] =	sbarrier.arrive $0xFFFF;
	s2 =	simm.s32 @!p0 $0x1C02  }
0x39: {  	[timem:s3], [sflag:s2] =	dma.local @!p0 [hbm:s0], s1  }
0x3a: {  	s0 =	simm.s32 @!p0 $0x2  }
0x3b: {  	_ =	swait.ge @!p0 [sflag:s0], s1  }
0x3c: {  	s1 =	ssub.s32 @!p0 $0x0, s1;
	[sflag:s0] =	ssyncset.done @!p0 $0x0  }
0x3d: {  	[sflag:s0] =	ssyncadd.s32 @!p0 s1  }
0x3e: {  	[bflag:$0x3] =	sbarrier.arrive $0xFFFF  }
0x3f: {  	_ =	shalt  }

// kernel: sparse-core-data-format-call.cloned.1.call-start
scs
called_computation_lowered:
.L_overlay_start_0:
0x0: {  	s2 =	sld [smem:$0x3FD9]  }
0x1: {  	s3 =	sld [smem:$0x3FFE];
	_ =	sdelay $0x1  }
0x2: {  	s1 =	srdreg.scid  }
0x3: {  	s0 =	sand.u32 $0x1, s1  }
0x4: {  	s18 =	sshll.u32 s0, $0xA;
	s2 =	sadd.s32 s3, s2  }
0x5: {  	s2 =	sadd.s32 s2, s18  }
0x6: {  	[smem:$0x3FC4] =	sst s2  }
0x7: {  	_ = 	snop  }
0x8: {  	s2 =	sld [smem:$0x3FD0];
	(tm) =	ssettm $0x1  }
0x9: {  	s19 =	sld [smem:$0x3FFB];
	_ =	sdelay $0x3  }
0xa: {  	_ =	strace s19  }
0xb: {  	s3 =	sld [smem:$0x3FFC];
	_ =	sdelay $0x3  }
0xc: {  	_ =	strace s3  }
0xd: {  	s3 =	sld [smem:$0x3FFD];
	_ =	sdelay $0x3  }
0xe: {  	_ =	strace s3  }
0xf: {  	_ =	strace $0x8FFFFFFF  }
0x10: {  	s20 =	sld [smem:$0x3FDB];
	_ =	sdelay $0x1  }
0x11: {  	s4 =	simm.s32 $_scs_section_size  }
0x12: {  	s5 =	simm.s32 $_size__tile_overlayer_lowered;
	s6 =	simm.s32 $_tile_overlayer_lowered  }
0x13: {  	s23 =	simm.s32 $0x1BFF;
	s22 =	sshll.u32 s6, $0x1;
	s3 =	sadd.s32 s4, s20  }
0x14: {  	s7 =	simm.s32 $0x0;
	s21 =	sshll.u32 s5, $0x1;
	s5 =	sadd.s32 s22, s3  }
0x15: {  	[timem:s7], [sflag:s23] =	dma.local [hbm:s5], s21  }
0x16: {  	_ =	swait.ge [sflag:s23], s21  }
0x17: {  	s4 =	ssub.s32 $0x0, s21;
	[sflag:s23] =	ssyncset.done $0x0  }
0x18: {  	[sflag:s23] =	ssyncadd.s32 s4;
	_ =	sdelay $0x1  }
0x19: {  	s24 =	simm.s32 $0x1B8B  }
0x1a: {  	_ =	swait.ge [sflag:s24], $0x1  }
0x1b: {  	[sflag:s24] =	ssyncset.done $0x0  }
0x1c: {  	s26 =	simm.s32 $0x1B8E;
	s25 =	sld [smem:$0x3FFE];
	[sflag:s24] =	ssyncadd.s32 $0xFFFFFFFF  }
0x1d: {  	s27 =	simm.s32 $execute0_lowered;
	[smem:$0x3FD2] =	sst s26  }
0x1e: {  	s5 =	sshll.u32 s27, $0x1;
	_ =	strace $0x80000049;
	[dreg:$0x1] =	wrdreg $0xFFFFFFFF  }
0x1f: {  	s28 =	simm.s32 $_size_execute0_lowered;
	s3 =	sadd.s32 s3, s5;
	[dreg:$0x0] =	wrdreg $0x0  }
0x20: {  	s5 =	sshll.u32 s28, $0x1;
	[dreg:$0x2] =	wrdreg s3  }
0x21: {  	[dreg:$0x3] =	wrdreg s5  }
0x22: {  	[dreg:$0x4] =	wrdreg $0xC0  }
0x23: {  	_ =	task [dreg:s7], $0x5FFFF  }
0x24: {  	[dreg:$0x1] =	wrdreg $0xFFFFFFFF  }
0x25: {  	[dreg:$0x0] =	wrdreg $0x60  }
0x26: {  	[dreg:$0x2] =	wrdreg s25  }
0x27: {  	[dreg:$0x3] =	wrdreg s2  }
0x28: {  	[dreg:$0x4] =	wrdreg $0x9  }
0x29: {  	_ =	task.clear_ibuf [dreg:s7], $0x5FFFF;
	_ =	strace $0x90000049  }
0x2a: {  	s29 =	simm.s32 $0x9;
	_ =	strace $0x8000004B  }
0x2b: {  	_ =	swait.ge [sflag:s29], $0x1  }
0x2c: {  	[sflag:s29] =	ssyncadd.s32 $0xFFFFFFFF  }
0x2d: {  	_ =	strace $0x9000004B  }
0x2e: {  	_ =	sfence  }
0x2f: {  	s30 =	sld [smem:$0x0];
	_ =	sdelay $0x2  }
0x30: {  	s31 =	sshll.u32 s1, $0xD;
	s1 =	sshrl.u32 s1, $0x2  }
0x31: {  	s3 =	sand.u32 $0x4000, s31;
	s1 =	sadd.s32 s1, s30  }
0x32: {  	s0 =	sor.u32 s3, s0;
	s1 =	sshll.u32 s1, $0x11  }
0x33: {  	s0 =	sor.u32 s1, s0  }
0x34: {  	s0 =	sadd.s32 $0x8F2B, s0  }
0x35: {  	[sflag:s0] =	ssyncadd.remote.s32 $0x1  }
0x36: {  	_ =	sfence.sel $0xFFFF  }
0x37: {  	[dreg:$0x0] =	wrdreg $0xFFFFFFFF;
	(pc) =	sbr.abs _section_cstart, $3  }
0x38: {  	[dreg:$0x1] =	wrdreg $0xFFFFFFFF  }
0x39: {  	_ =	task.clear_ibuf [dreg:s7], $0x2FFFF;
	_ =	strace $0x9FFFFFFF  }
0x3a: {  	(tm) =	ssettm $0x7FFFFFFF  }
0x3b: {  	_ =	shalt  }
tec
execute0_lowered:
.L_overlay_start_1:
0x0: {  	(tag) =	ssettag $0x1  }
0x1: {  	s0 =	srdreg.scid  }
0x2: {  	s1 =	sshll.u32 s0, $0x4  }
0x3: {  	s6 =	rddreg [dreg:$0x0];
	s0 =	stileid.u32;
	s1 =	sand.u32 $0x10, s1  }
0x4: {  	s3 =	rddreg [dreg:$0x1];
	s1 =	sor.u32 s0, s1  }
0x5: {  	s5 =	simm.s32 $0x1;
	s31 =	simm.s32 $0x2;
	s2 =	sshll.u32 s1, $0x7  }
0x6: {  	s15 =	simm.s32 $0x0;
	s8 =	simm.s32 $0x10000;
	s4 =	ssub.s32 $0x4000, s2  }
0x7: {  	s14 =	simm.s32 $0x0;
	s9 =	simm.s32 $0x0;
	s30 =	sand.u32 $0xF80, s4  }
0x8: {  	s10 =	simm.s32 $0x0;
	s11 =	simm.s32 $0x0;
	p0 =	sne.s32 s30, $0x0  }
.Ltmp0:
0x9: {  	s7 =	sshrl.u32 s4, $0xC;
	s5 =	simm.s32 @!p0 $0x0;
	(pc) =	sbr.rel .LBB1_1-.Ltmp0, $4  }
0xa: {  	s13 =	simm.s32 $0x0;
	s1 =	rddreg [dreg:$0x2];
	s5 =	sadd.s32 s5, s7  }
0xb: {  	_ =	strace $0x8000004A;
	s4 =	simm.s32 $0x1;
	s5 =	smul.u32 $0xC8, s5  }
0xc: {  	s6 =	sadd.s32 $0x384E00, s6;
	s12 =	smov.u32 s2;
	[sflag:s4] =	ssyncpa.u1 $0x0  }
0xd: {  	[sflag:s31] =	ssyncpa.u1 $0x0;
	p0 =	por $0x0, $0x0;
	s7 =	sor.u32 $0x1, s5  }
.LBB1_4:
0xe: {  	p1 =	sgt.s32 s9, $0xC7  }
0xf: {  	s18 =	smov.u32 s9;
	s19 =	sshra.s32 s9, $0x1F;
	s20 =	sand.u32 $0x78, s10  }
0x10: {  	s21 =	sshra.s32 s10, $0x1F;
	s22 =	sshll.u32 s10, $0x2;
	s25 =	sshll.u32 s9, $0xD  }
0x11: {  	s26 =	sshrl.u32 s10, $0x1;
	s18 =	simm.s32 @!p1 $0xC7;
	s19 =	sand.u32 s19, s9  }
0x12: {  	p1 =	sgt.s32 s10, $0x3F80;
	s18 =	ssub.s32 s18, s19;
	s19 =	smov.u32 s10  }
0x13: {  	s27 =	sand.u32 $0x7, s10;
	s21 =	sand.u32 s21, s10;
	s19 =	simm.s32 @!p1 $0x3F80  }
0x14: {  	s22 =	sand.u32 $0x3E00, s22;
	s18 =	sadd.s32 $0xFFFFFF39, s18;
	s19 =	ssub.s32 s19, s21  }
0x15: {  	p1 =	sgt.s32 s18, $0x0;
	s18 =	sshll.u32 s18, $0x2;
	s21 =	sadd.s32 $0xFFFFC080, s19  }
0x16: {  	s18 =	ssub.s32 $0x4, s18;
	s19 =	ssub.s32 $0x4000, s19;
	p2 =	sgt.s32 s21, $0x7F  }
0x17: {  	s20 =	sor.u32 s20, s22;
	s18 =	simm.s32 @p1 $0x0;
	s19 =	simm.s32 @p2 $0x0  }
0x18: {  	s21 =	sand.u32 $0x1800, s26;
	s18 =	smul.u32 s19, s18;
	s19 =	sadd.s32 s3, s25  }
0x19: {  	s28 =	sshll.u32 s27, $0x12;
	s20 =	sshrl.u32 s20, $0x3;
	s19 =	sadd.s32 s21, s19  }
0x1a: {  	[tilespmem:s17+$0x0 ss:$0x81] =	vst.msk $0xffff, v0;
	s31 =	sor.u32 $0x200, s28;
	s29 =	sand.u32 $0x3FFFFFFC, s18;
	s30 =	sadd.s32 s20, s19  }
0x1b: {  	[hbm4b:s30+s31] =	stream.strided.scatter [tilespmem:s16], [sflag:$0x2], s29, s8, s31, $0x20;
	[tilespmem:$0x4040] =	vst v63  }
.LBB1_5:
0x1c: {  	p1 =	slt.u32 s13, $0x2  }
0x1d: {  	p2 =	sgt.s32 @!p1 s15, $0xC7  }
0x1e: {  	s16 =	smov.u32 s15;
	s17 =	sshra.s32 @!p1 s15, $0x1F;
	p2 =	por !p2, p1  }
0x1f: {  	s18 =	sshra.s32 @!p1 s14, $0x1F;
	s16 =	simm.s32 @p2 $0xC7;
	p2 =	sgt.s32 @!p1 s14, $0x3F80  }
0x20: {  	s15 =	sand.u32 @!p1 s17, s15;
	s17 =	smov.u32 s14;
	p2 =	por !p2, p1  }
0x21: {  	s14 =	sand.u32 @!p1 s18, s14;
	s15 =	ssub.s32 @!p1 s16, s15;
	s17 =	simm.s32 @p2 $0x3F80  }
0x22: {  	s15 =	sadd.s32 @!p1 $0xFFFFFF39, s15;
	s14 =	ssub.s32 @!p1 s17, s14  }
0x23: {  	s18 =	smov.u32 s12;
	s16 =	sshll.u32 @!p1 s15, $0x2;
	s17 =	sadd.s32 @!p1 $0xFFFFC080, s14  }
0x24: {  	p2 =	sgt.s32 @!p1 s15, $0x0;
	s15 =	ssub.s32 @!p1 $0x4, s16;
	p3 =	sgt.s32 @!p1 s17, $0x7F  }
0x25: {  	p2 =	por !p2, p1;
	s14 =	ssub.s32 @!p1 $0x4000, s14;
	p3 =	por !p3, p1  }
0x26: {  	s16 =	sadd.s32 $0x1, s11;
	s15 =	simm.s32 @!p2 $0x0;
	s14 =	simm.s32 @!p3 $0x0  }
0x27: {  	p2 =	sgt.s32 s16, $0xC7;
	s14 =	smul.u32 @!p1 s14, s15;
	s15 =	sadd.s32 $0x1000, s12  }
0x28: {  	s18 =	smov.u32 @p2 s15  }
0x29: {  	s16 =	simm.s32 @p2 $0x0;
	p2 =	sgt.s32 s18, $0x3FFF  }
0x2a: {  	s18 =	smov.u32 @p2 s2;
	p2 =	sne.s32 s13, s7  }
.Ltmp1:
0x2b: {  	p0 =	por !p0, !p0;
	s17 =	simm.s32 @!p1 $0x2;
	(pc) =	sbr.rel @!p2 .LBB1_6-.Ltmp1, $4  }
0x2c: {  	s15 =	smov.u32 s9;
	s9 =	smov.u32 s11;
	s14 =	sand.u32 @!p1 $0x3FFFFFFC, s14  }
0x2d: {  	s11 =	smov.u32 s16;
	_ =	swait.ge @!p1 [sflag:s17], s14;
	s19 =	ssub.s32 @!p1 $0x0, s14  }
0x2e: {  	s14 =	smov.u32 s10;
	s13 =	sadd.s32 $0x1, s13;
	[sflag:s17] =	ssyncset.done @!p1 $0x0  }
0x2f: {  	s10 =	smov.u32 s12;
	s12 =	smov.u32 s18;
	[sflag:s17] =	ssyncadd.s32 @!p1 s19  }
.LBB1_1:
0x30: {  	p1 =	sge.u32 s13, s5  }
0x31: {  	s16 =	sand.u32 @!p1 $0x1FFFFFF, s11  }
0x32: {  	s17 =	smulhi.u32 @!p1 $0x147AE15, s16;
	_ =	sdelay $0x1  }
0x33: {  	s17 =	smul.u32 @!p1 $0xC8, s17  }
0x34: {  	s18 =	sxor.u32 @!p1 $0xFFFFFFFF, s13;
	s19 =	smul.u32 @!p1 $0xC80, s12  }
0x35: {  	s31 =	sadd.s32 $0xFFFFFFFF, s13;
	s18 =	sshll.u32 @!p1 s18, $0xC;
	s16 =	ssub.s32 @!p1 s16, s17  }
0x36: {  	s17 =	sand.u32 @!p1 $0x1000, s18;
	s18 =	sadd.s32 @!p1 s6, s19;
	s16 =	sshll.u32 @!p1 s16, $0x4  }
0x37: {  	s19 =	simm.s32 @!p1 $0x6400;
	s16 =	sadd.s32 @!p1 s16, s18;
	s18 =	simm.s32 @!p1 $0x20  }
0x38: {  	[tilespmem:s17], [sflag:$0x1] =	stream.strided.gather @!p1 [hbm4b:s16+s18], $0x1000, s19, s18, $0x38;
	[tilespmem:$0x4040] =	vst v63  }
0x39: {  	p1 =	sge.u32 s31, s5  }
.Ltmp2:
0x3a: {  	_ = 	snop;
	(pc) =	sbr.rel @p1 .LBB1_5-.Ltmp2, $1  }
0x3b: {  	_ =	sdelay $0x3  }
0x3c: {  	s16 =	simm.s32 $0x1  }
0x3d: {  	_ =	swait.ge [sflag:s4], $0x1000;
	s16 =	simm.s32 @!p0 $0x0  }
0x3e: {  	[sflag:s4] =	ssyncset.done $0x0;
	s17 =	sshll.u32 s16, $0xC  }
0x3f: {  	[sflag:s4] =	ssyncadd.s32 $0xFFFFF000;
	s20 =	sor.u32 $0x10, s17  }
0x40: {  	s16 =	smul.u32 $0x4080, s16;
	v1 =	vld [tilespmem:s20+$0x0]  }
0x41: {  	s30 =	sand.u32 $0x1, s13;
	v0 =	vld [tilespmem:s20+$0xFFFFFFF0]  }
0x42: {  	s17 =	smul.u32 $0x4080, s30;
	s16 =	sshrl.u32 s16, $0x2  }
0x43: {  	s18 =	sor.u32 $0x2000, s16  }
0x44: {  	s31 =	sshrl.u32 s17, $0x2;
	s17 =	sadd.s32 $0x0, s18  }
0x45: {  	s19 =	simm.s32 $0x4;
	s20 =	sadd.s32 $0x20, s20;
	s16 =	sor.u32 $0x2000, s31;
	[tilespmem:s17+$0x810 ss:$0x81] =	vst.msk $0xffff, v1  }
.LBB1_3:
0x46: {  	v1 =	vld [tilespmem:s20+$0x0];
	p1 =	sne.s32 s19, $0x1FC;
	[tilespmem:s17+$0x0 ss:$0x81] =	vst.msk $0xffff, v0;
	s17 =	smov.u32 s19;
	s19 =	sadd.s32 $0x4, s19  }
.Ltmp3:
0x47: {  	v0 =	vld [tilespmem:s20+$0xFFFFFFF0];
	(pc) =	sbr.rel @p1 .LBB1_3-.Ltmp3, $4  }
0x48: {  	_ = 	snop  }
0x49: {  	s17 =	sshra.s32 s17, $0x2  }
0x4a: {  	s17 =	sadd.s32 s17, s18  }
0x4b: {  	s20 =	sadd.s32 $0x20, s20;
	[tilespmem:s17+$0x810 ss:$0x81] =	vst.msk $0xffff, v1  }
.Ltmp4:
0x4c: {  	_ = 	snop;
	(pc) =	sbr.rel .LBB1_4-.Ltmp4, $1  }
0x4d: {  	_ =	sdelay $0x3  }
.LBB1_6:
0x4e: {  	_ =	sfence.sel $0x180000  }
0x4f: {  	s2 =	simm.s32 $0x1;
	[bflag:$0x0] =	sbarrier.arrive $0xFFFF  }
0x50: {  	s31 =	simm.s32 $0x2;
	[sflag:s2] =	ssyncpa.u1 $0x1  }
0x51: {  	[sflag:s31] =	ssyncpa.u1 $0x1  }
0x52: {  	p0 =	sne.s32 s0, $0x0;
	_ =	strace $0x9000004A  }
0x53: {  	s0 =	sadd.s32 @!p0 $0x100000, s1;
	[bflag:$0x2] =	sbarrier.arrive $0xFFFF  }
0x54: {  	[sflag:s0] =	ssyncadd.tile.s32 @!p0 $0x1;
	_ =	shalt  }
.Lfunc_end1:
_tile_overlayer_lowered:
.L_overlay_start_2:
0x55: {  	(tag) =	ssettag $0x2  }
0x56: {  	s0 =	rddreg [dreg:$0x0];
	s2 =	stileid.u32  }
0x57: {  	s1 =	rddreg [dreg:$0x1];
	p0 =	sne.s32 s2, $0x0  }
0x58: {  	s3 =	rddreg [dreg:$0x2];
	[bflag:$0x3] =	sbarrier.arrive $0xFFFF;
	s2 =	simm.s32 @!p0 $0x1C01  }
0x59: {  	[timem:s3], [sflag:s2] =	dma.local @!p0 [hbm:s0], s1  }
0x5a: {  	s0 =	simm.s32 @!p0 $0x1  }
0x5b: {  	_ =	swait.ge @!p0 [sflag:s0], s1  }
0x5c: {  	s1 =	ssub.s32 @!p0 $0x0, s1;
	[sflag:s0] =	ssyncset.done @!p0 $0x0  }
0x5d: {  	[sflag:s0] =	ssyncadd.s32 @!p0 s1  }
0x5e: {  	[bflag:$0x3] =	sbarrier.arrive $0xFFFF  }
0x5f: {  	_ =	shalt  }

</sc_bundles>
